<compile_context>
chip_gen: v7x
topology: tpu7x:2x2x1
jax: 0.10.2.dev20260603
libtpu: 0.0.44.dev20260713+nightly
codegen_flags: <defaults>
</compile_context>

<pallas_src>
import dataclasses
import functools

import jax
import jax.numpy as jnp
from jax import lax
from jax.experimental import pallas as pl
from jax.experimental.pallas import tpu as pltpu
from jax.experimental.pallas import tpu_sc as plsc

N = 10000
E = 160000
D = 256
K = 3
H = 64
C = 40

NP = 10240
B = 128
NBLK = 40
NW = 32
EP = NW * NBLK * B
L = 16
RPT = NP // 16

ROW_BLK = 512

_MESH = plsc.VectorSubcoreMesh(core_axis_name="c", subcore_axis_name="s")

_SC_PARAMS = pltpu.CompilerParams()
if "needs_layout_passes" in pltpu.CompilerParams.__dataclass_fields__:
    _SC_PARAMS = dataclasses.replace(_SC_PARAMS, needs_layout_passes=False)


def _zero_rows(rows_ref, nrow, ncol):
    zeros = jnp.zeros((L,), jnp.float32)

    @pl.loop(0, nrow)
    def _(b):
        for f0 in range(0, ncol, L):
            rows_ref[b, pl.ds(f0, L)] = zeros



def _deg_body(dst_hbm, w_hbm, out_hbm, dst_v, w_v, rows_v, acc_sh):
    c = lax.axis_index("c")
    s = lax.axis_index("s")
    wid = c * 16 + s
    row0 = s * RPT
    pltpu.sync_copy(dst_hbm.at[wid], dst_v)
    pltpu.sync_copy(w_hbm.at[wid], w_v)
    _zero_rows(rows_v, B, L)
    for kk in range(RPT // B):
        pltpu.sync_copy(rows_v, acc_sh.at[pl.ds(row0 + kk * B, B)])
    plsc.subcore_barrier()

    zcol = jnp.zeros((L,), jnp.int32)

    @pl.loop(0, NBLK)
    def _(j):
        for b0 in range(0, B, L):
            wv = w_v[j, pl.ds(b0, L)]
            ridx = b0 + lax.iota(jnp.int32, L)
            plsc.store_scatter(rows_v, [ridx, zcol], wv)
        pltpu.sync_copy(rows_v, acc_sh.at[dst_v.at[j]], add=True)

    plsc.subcore_barrier()
    pltpu.sync_copy(acc_sh.at[pl.ds(row0, RPT)],
                    out_hbm.at[c, pl.ds(row0, RPT)])


@functools.partial(jax.jit)
def _deg_call(dstp, wp):
    f = pl.kernel(
        _deg_body,
        out_type=jax.ShapeDtypeStruct((2, NP, L), jnp.float32),
        mesh=_MESH,
        compiler_params=_SC_PARAMS,
        scratch_types=[
            pltpu.VMEM((NBLK, B), jnp.int32),
            pltpu.VMEM((NBLK, B), jnp.float32),
            pltpu.VMEM((B, L), jnp.float32),
            pltpu.VMEM_SHARED((NP, L), jnp.float32),
        ],
    )
    return f(dstp, wp)



def _normw_body(invs_hbm, src_hbm, dst_hbm, w_hbm, out_hbm,
                invs_v, src_v, dst_v, w_v, nw_v):
    c = lax.axis_index("c")
    s = lax.axis_index("s")
    wid = c * 16 + s
    pltpu.sync_copy(invs_hbm, invs_v)
    pltpu.sync_copy(src_hbm.at[wid], src_v)
    pltpu.sync_copy(dst_hbm.at[wid], dst_v)
    pltpu.sync_copy(w_hbm.at[wid], w_v)

    @pl.loop(0, NBLK)
    def _(j):
        for b0 in range(0, B, L):
            sv = plsc.load_gather(invs_v, [src_v[j, pl.ds(b0, L)]])
            dv = plsc.load_gather(invs_v, [dst_v[j, pl.ds(b0, L)]])
            nw_v[j, pl.ds(b0, L)] = w_v[j, pl.ds(b0, L)] * sv * dv

    pltpu.sync_copy(nw_v, out_hbm.at[wid])


@functools.partial(jax.jit)
def _normw_call(invs, srcp, dstp, wp):
    f = pl.kernel(
        _normw_body,
        out_type=jax.ShapeDtypeStruct((NW, NBLK, B), jnp.float32),
        mesh=_MESH,
        compiler_params=_SC_PARAMS,
        scratch_types=[
            pltpu.VMEM((NP,), jnp.float32),
            pltpu.VMEM((NBLK, B), jnp.int32),
            pltpu.VMEM((NBLK, B), jnp.int32),
            pltpu.VMEM((NBLK, B), jnp.float32),
            pltpu.VMEM((NBLK, B), jnp.float32),
        ],
    )
    return f(invs, srcp, dstp, wp)



_SPLAT_DNUMS = lax.GatherDimensionNumbers(
    offset_dims=(), collapsed_slice_dims=(0,), start_index_map=(0,))


def _splat(vec, i):
    idx = jnp.full((L, 1), i, jnp.int32)
    return lax.gather(vec, idx, _SPLAT_DNUMS, (1,),
                      mode=lax.GatherScatterMode.PROMISE_IN_BOUNDS)


BH = 128
NBLKH = EP // NW // BH


def _make_hop(nck, f):
    def scale(rows_ref, w_v, j):
        @pl.loop(0, BH, step=L)
        def _(b0):
            wv = w_v[j, pl.ds(b0, L)]
            for r in range(L):
                ws = _splat(wv, r)
                for f0 in range(0, f, L):
                    rows_ref[b0 + r, pl.ds(f0, L)] = (
                        rows_ref[b0 + r, pl.ds(f0, L)] * ws)

    def body(h_hbm, src_hbm, dst_hbm, w_hbm, out_hbm,
             src_v, dst_v, w_v, rows_a, acc_sh):
        c = lax.axis_index("c")
        s = lax.axis_index("s")
        wid = c * 16 + s
        row0 = s * RPT
        pltpu.sync_copy(src_hbm.at[wid], src_v)
        pltpu.sync_copy(dst_hbm.at[wid], dst_v)
        pltpu.sync_copy(w_hbm.at[wid], w_v)
        for ci in range(nck):
            _zero_rows(rows_a, BH, f)
            for kk in range(RPT // BH):
                pltpu.sync_copy(rows_a, acc_sh.at[pl.ds(row0 + kk * BH, BH)])
            plsc.subcore_barrier()

            @pl.loop(0, NBLKH)
            def _(j):
                scale(rows_a, w_v, j)
                pltpu.sync_copy(rows_a, acc_sh.at[dst_v.at[j]], add=True)

            plsc.subcore_barrier()
            pltpu.sync_copy(acc_sh.at[pl.ds(row0, RPT)],
                            out_hbm.at[c, ci, pl.ds(row0, RPT)])

    def call(h2, srcp, dstp, nwp):
        fn = pl.kernel(
            body,
            out_type=jax.ShapeDtypeStruct((2, nck, NP, f), jnp.float32),
            mesh=_MESH,
            compiler_params=_SC_PARAMS,
            scratch_types=[
                pltpu.VMEM((NBLKH, BH), jnp.int32),
                pltpu.VMEM((NBLKH, BH), jnp.int32),
                pltpu.VMEM((NBLKH, BH), jnp.float32),
                pltpu.VMEM((BH, f), jnp.float32),
                pltpu.VMEM_SHARED((NP, f), jnp.float32),
            ],
        )
        return fn(h2, srcp.reshape(NW, NBLKH, BH),
                  dstp.reshape(NW, NBLKH, BH), nwp.reshape(NW, NBLKH, BH))

    return call


_hop_l1 = _make_hop(2, 128)
_hop_l2 = _make_hop(1, 128)



def _finalize_body(p_ref, invs_ref, selfw_ref):
    d = 1.0 + p_ref[0] + p_ref[1]
    d = jnp.maximum(d, 1e-12)
    invs_ref[...] = lax.rsqrt(d)[:, :1]
    selfw_ref[...] = (1.0 / d)[:, :1]


def _finalize(dpart):
    return pl.pallas_call(
        _finalize_body,
        grid=(NP // ROW_BLK,),
        in_specs=[pl.BlockSpec((2, ROW_BLK, L), lambda i: (0, i, 0))],
        out_specs=[pl.BlockSpec((ROW_BLK, 1), lambda i: (i, 0)),
                   pl.BlockSpec((ROW_BLK, 1), lambda i: (i, 0))],
        out_shape=[jax.ShapeDtypeStruct((NP, 1), jnp.float32),
                   jax.ShapeDtypeStruct((NP, 1), jnp.float32)],
    )(dpart)


def _combine_body(nck, p_ref, h_ref, sw_ref, o_ref):
    sw = sw_ref[...]
    for ck in range(nck):
        o_ref[ck] = p_ref[0, ck] + p_ref[1, ck] + sw * h_ref[ck]


def _combine(parts, h2, selfw):
    nck, _, f = h2.shape
    return pl.pallas_call(
        functools.partial(_combine_body, nck),
        grid=(NP // ROW_BLK,),
        in_specs=[
            pl.BlockSpec((2, nck, ROW_BLK, f), lambda i: (0, 0, i, 0)),
            pl.BlockSpec((nck, ROW_BLK, f), lambda i: (0, i, 0)),
            pl.BlockSpec((ROW_BLK, 1), lambda i: (i, 0)),
        ],
        out_specs=pl.BlockSpec((nck, ROW_BLK, f), lambda i: (0, i, 0)),
        out_shape=jax.ShapeDtypeStruct((nck, NP, f), jnp.float32),
    )(parts, h2, selfw)


def _mm_body(nck, relu, h0_ref, h1_ref, h2_ref, h3_ref, w_ref, b_ref, o_ref):
    o = o_ref.shape[-1]
    acc = jnp.zeros((ROW_BLK, o), jnp.float32) + b_ref[...][None, :]
    for k, href in enumerate((h0_ref, h1_ref, h2_ref, h3_ref)):
        for ck in range(nck):
            acc += jnp.dot(href[ck], w_ref[k, ck],
                           preferred_element_type=jnp.float32)
    if relu:
        acc = jnp.maximum(acc, 0.0)
    o_ref[...] = acc


def _mm(hops, w, b, relu):
    nck, _, f = hops[0].shape
    o = w.shape[-1]
    hspec = pl.BlockSpec((nck, ROW_BLK, f), lambda i: (0, i, 0))
    return pl.pallas_call(
        functools.partial(_mm_body, nck, relu),
        grid=(NP // ROW_BLK,),
        in_specs=[hspec, hspec, hspec, hspec,
                  pl.BlockSpec((4, nck, f, o), lambda i: (0, 0, 0, 0)),
                  pl.BlockSpec((o,), lambda i: (0,))],
        out_specs=pl.BlockSpec((ROW_BLK, o), lambda i: (i, 0)),
        out_shape=jax.ShapeDtypeStruct((NP, o), jnp.float32),
    )(*hops, w, b)



def kernel(x, edge_index, edge_weight, W0, b0, W1, b1):
    src = edge_index[0]
    dst = edge_index[1]
    pad = EP - E
    srcp = jnp.pad(src, (0, pad)).reshape(NW, NBLK, B)
    dstp = jnp.pad(dst, (0, pad)).reshape(NW, NBLK, B)
    wp = jnp.pad(edge_weight, (0, pad)).reshape(NW, NBLK, B)

    dpart = _deg_call(dstp, wp)
    invs1, selfw = _finalize(dpart)
    nwp = _normw_call(invs1.reshape(NP), srcp, dstp, wp)

    xp = jnp.pad(x, ((0, NP - N), (0, 0)))
    h2 = xp.reshape(NP, 2, 128).transpose(1, 0, 2)
    hops1 = [h2]
    for _ in range(K):
        parts = _hop_l1(h2, srcp, dstp, nwp)
        h2 = _combine(parts, h2, selfw)
        hops1.append(h2)
    h1 = _mm(hops1, W0.reshape(K + 1, 2, 128, H), b0, relu=True)

    g = jnp.pad(h1, ((0, 0), (0, 128 - H))).reshape(1, NP, 128)
    hops2 = [g]
    for _ in range(K):
        parts = _hop_l2(g, srcp, dstp, nwp)
        g = _combine(parts, g, selfw)
        hops2.append(g)
    w1p = jnp.pad(W1.reshape(K + 1, H, C), ((0, 0), (0, 128 - H), (0, 0)))
    out = _mm(hops2, w1p.reshape(K + 1, 1, 128, C), b1, relu=False)
    return out[:N]

# --- scband reference (transcript-rebuilt; emitter-appended) ---
"""Pipeline reference for scband-tagcn-28424093565727 (READ-ONLY COPY).

The authoritative reference and input builder live on the scoring server;
editing this copy changes nothing except your own understanding.
"""

import jax, jax.numpy as jnp
import numpy as np

N = 10000
E = 160000
D = 256
K = 3
H = 64
C = 40


def setup_inputs(seed: int = 0) -> dict:
    key = jax.random.key(seed)
    k1, k2, k3, k4, k5, k6, k7 = jax.random.split(key, 7)
    x = jax.random.normal(k1, (N, D), dtype=jnp.float32)
    edge_index = jax.random.randint(k2, (2, E), 0, N, dtype=jnp.int32)
    edge_weight = jax.random.uniform(k3, (E,), dtype=jnp.float32)
    W0 = jax.random.normal(k4, ((K + 1) * D, H), dtype=jnp.float32) * 0.05
    b0 = jnp.zeros((H,), dtype=jnp.float32)
    W1 = jax.random.normal(k5, ((K + 1) * H, C), dtype=jnp.float32) * 0.05
    b1 = jnp.zeros((C,), dtype=jnp.float32)
    return {"x": x, "edge_index": edge_index, "edge_weight": edge_weight,
            "W0": W0, "b0": b0, "W1": W1, "b1": b1}


def _renorm(edge_index, edge_weight, n):
    # TAGCN renorm: add self-loops with weight 1, symmetric D^{-1/2} (A+I) D^{-1/2}
    src = edge_index[0]
    dst = edge_index[1]
    loop = jnp.arange(n, dtype=src.dtype)
    src_f = jnp.concatenate([src, loop])
    dst_f = jnp.concatenate([dst, loop])
    w_f = jnp.concatenate([edge_weight, jnp.ones((n,), dtype=edge_weight.dtype)])
    deg = jnp.zeros((n,), dtype=w_f.dtype).at[dst_f].add(w_f)
    deg = jnp.maximum(deg, 1e-12)
    inv_sqrt = jax.lax.rsqrt(deg)
    norm_w = w_f * inv_sqrt[src_f] * inv_sqrt[dst_f]
    return src_f, dst_f, norm_w


def _tag_prop(h, src, dst, norm_w, k_hops):
    # concat [h, A h, A^2 h, ..., A^K h]
    feats = [h]
    cur = h
    for _ in range(k_hops):
        cur = jnp.zeros_like(cur).at[dst].add(norm_w[:, None] * cur[src])
        feats.append(cur)
    return jnp.concatenate(feats, axis=1)


def reference(x, edge_index, edge_weight, W0, b0, W1, b1):
    n = x.shape[0]
    src, dst, norm_w = _renorm(edge_index, edge_weight, n)
    # dropout is inactive at inference -> identity
    h = _tag_prop(x, src, dst, norm_w, K)
    h = jax.nn.relu(h @ W0 + b0)
    h = _tag_prop(h, src, dst, norm_w, K)
    out = h @ W1 + b1
    return out

if __name__ == "__main__":
    import jax
    _d = setup_inputs()
    print(jax.jit(kernel)(*tuple(_d.values())))

</pallas_src>

<mosaic_0001>
#map = affine_map<(d0, d1) -> (0, 0, 0)>
module attributes {stable_mosaic.version = 14 : i64} {
  func.func @_deg_body(%arg0: i32, %arg1: i32, %arg2: memref<32x40x128xi32, #tpu.memory_space<hbm>>, %arg3: memref<32x40x128xf32, #tpu.memory_space<hbm>>, %arg4: memref<2x10240x16xf32, #tpu.memory_space<hbm>>, %arg5: memref<40x128xi32, #tpu.memory_space<vmem>>, %arg6: memref<40x128xf32, #tpu.memory_space<vmem>>, %arg7: memref<128x16xf32, #tpu.memory_space<vmem>>, %arg8: memref<10240x16xf32, #tpu.memory_space<vmem_shared>>) attributes {dimension_semantics = [#tpu.dimension_semantics<core_parallel>, #tpu.dimension_semantics<subcore_parallel>], iteration_bounds = array<i64: 2, 16>, scalar_prefetch = 0 : i64, scratch_operands = 4 : i64, tpu.core_type = #tpu.core_type<sc_vector_subcore>, window_params = [{transform_indices = #map}, {transform_indices = #map}, {transform_indices = #map}]} {
    %mul3A = arith.constant 16 : i32
    %mul3A_0 = arith.muli %arg0, %mul3A : i32
    %add3A = arith.addi %mul3A_0, %arg1 : i32
    %mul3A_1 = arith.constant 640 : i32
    %mul3A_2 = arith.muli %arg1, %mul3A_1 : i32
    "tpu.region"() ({
      %run_scoped3A = tpu.sem_alloc : memref<!tpu.dma_semaphore, #tpu.memory_space<semaphore_mem>>
      %dma_start3A = arith.constant 0 : i32
      %dma_start3A_26 = arith.constant 0 : i32
      %dma_start3A_27 = tpu.memref_slice %arg2[%add3A, %dma_start3A, %dma_start3A_26] : memref<32x40x128xi32, #tpu.memory_space<hbm>> -> memref<1x40x128xi32, #tpu.memory_space<hbm>>
      %dma_start3A_28 = tpu.memref_squeeze %dma_start3A_27 : memref<1x40x128xi32, #tpu.memory_space<hbm>> -> memref<40x128xi32, #tpu.memory_space<hbm>>
      %dma_start3A_29 = arith.constant 0 : i32
      %dma_start3A_30 = arith.constant 0 : i32
      %dma_start3A_31 = tpu.memref_slice %arg2[%add3A, %dma_start3A_29, %dma_start3A_30] : memref<32x40x128xi32, #tpu.memory_space<hbm>> -> memref<1x40x128xi32, #tpu.memory_space<hbm>>
      %dma_start3A_32 = tpu.memref_squeeze %dma_start3A_31 : memref<1x40x128xi32, #tpu.memory_space<hbm>> -> memref<40x128xi32, #tpu.memory_space<hbm>>
      tpu.enqueue_dma source(%dma_start3A_32 : memref<40x128xi32, #tpu.memory_space<hbm>>) target(%arg5 : memref<40x128xi32, #tpu.memory_space<vmem>>) target_semaphore(%run_scoped3A : memref<!tpu.dma_semaphore, #tpu.memory_space<semaphore_mem>>)
      %dma_wait3A = arith.constant 0 : i32
      %dma_wait3A_33 = arith.constant 0 : i32
      %dma_wait3A_34 = tpu.memref_slice %arg2[%add3A, %dma_wait3A, %dma_wait3A_33] : memref<32x40x128xi32, #tpu.memory_space<hbm>> -> memref<1x40x128xi32, #tpu.memory_space<hbm>>
      %dma_wait3A_35 = tpu.memref_squeeze %dma_wait3A_34 : memref<1x40x128xi32, #tpu.memory_space<hbm>> -> memref<40x128xi32, #tpu.memory_space<hbm>>
      %dma_wait3A_36 = arith.constant 0 : i32
      %dma_wait3A_37 = arith.constant 0 : i32
      %dma_wait3A_38 = tpu.memref_slice %arg2[%add3A, %dma_wait3A_36, %dma_wait3A_37] : memref<32x40x128xi32, #tpu.memory_space<hbm>> -> memref<1x40x128xi32, #tpu.memory_space<hbm>>
      %dma_wait3A_39 = tpu.memref_squeeze %dma_wait3A_38 : memref<1x40x128xi32, #tpu.memory_space<hbm>> -> memref<40x128xi32, #tpu.memory_space<hbm>>
      tpu.wait_dma2 semaphore(%run_scoped3A : memref<!tpu.dma_semaphore, #tpu.memory_space<semaphore_mem>>) src(%dma_wait3A_39 : memref<40x128xi32, #tpu.memory_space<hbm>>) dst(%arg5 : memref<40x128xi32, #tpu.memory_space<vmem>>)
      tpu.yield
    }) : () -> ()
    "tpu.region"() ({
      %run_scoped3A = tpu.sem_alloc : memref<!tpu.dma_semaphore, #tpu.memory_space<semaphore_mem>>
      %dma_start3A = arith.constant 0 : i32
      %dma_start3A_26 = arith.constant 0 : i32
      %dma_start3A_27 = tpu.memref_slice %arg3[%add3A, %dma_start3A, %dma_start3A_26] : memref<32x40x128xf32, #tpu.memory_space<hbm>> -> memref<1x40x128xf32, #tpu.memory_space<hbm>>
      %dma_start3A_28 = tpu.memref_squeeze %dma_start3A_27 : memref<1x40x128xf32, #tpu.memory_space<hbm>> -> memref<40x128xf32, #tpu.memory_space<hbm>>
      %dma_start3A_29 = arith.constant 0 : i32
      %dma_start3A_30 = arith.constant 0 : i32
      %dma_start3A_31 = tpu.memref_slice %arg3[%add3A, %dma_start3A_29, %dma_start3A_30] : memref<32x40x128xf32, #tpu.memory_space<hbm>> -> memref<1x40x128xf32, #tpu.memory_space<hbm>>
      %dma_start3A_32 = tpu.memref_squeeze %dma_start3A_31 : memref<1x40x128xf32, #tpu.memory_space<hbm>> -> memref<40x128xf32, #tpu.memory_space<hbm>>
      tpu.enqueue_dma source(%dma_start3A_32 : memref<40x128xf32, #tpu.memory_space<hbm>>) target(%arg6 : memref<40x128xf32, #tpu.memory_space<vmem>>) target_semaphore(%run_scoped3A : memref<!tpu.dma_semaphore, #tpu.memory_space<semaphore_mem>>)
      %dma_wait3A = arith.constant 0 : i32
      %dma_wait3A_33 = arith.constant 0 : i32
      %dma_wait3A_34 = tpu.memref_slice %arg3[%add3A, %dma_wait3A, %dma_wait3A_33] : memref<32x40x128xf32, #tpu.memory_space<hbm>> -> memref<1x40x128xf32, #tpu.memory_space<hbm>>
      %dma_wait3A_35 = tpu.memref_squeeze %dma_wait3A_34 : memref<1x40x128xf32, #tpu.memory_space<hbm>> -> memref<40x128xf32, #tpu.memory_space<hbm>>
      %dma_wait3A_36 = arith.constant 0 : i32
      %dma_wait3A_37 = arith.constant 0 : i32
      %dma_wait3A_38 = tpu.memref_slice %arg3[%add3A, %dma_wait3A_36, %dma_wait3A_37] : memref<32x40x128xf32, #tpu.memory_space<hbm>> -> memref<1x40x128xf32, #tpu.memory_space<hbm>>
      %dma_wait3A_39 = tpu.memref_squeeze %dma_wait3A_38 : memref<1x40x128xf32, #tpu.memory_space<hbm>> -> memref<40x128xf32, #tpu.memory_space<hbm>>
      tpu.wait_dma2 semaphore(%run_scoped3A : memref<!tpu.dma_semaphore, #tpu.memory_space<semaphore_mem>>) src(%dma_wait3A_39 : memref<40x128xf32, #tpu.memory_space<hbm>>) dst(%arg6 : memref<40x128xf32, #tpu.memory_space<vmem>>)
      tpu.yield
    }) : () -> ()
    %broadcast_in_dim3A = arith.constant 0.000000e+00 : f32
    %broadcast_in_dim3A_3 = vector.broadcast %broadcast_in_dim3A : f32 to vector<16xf32>
    %scan3A = arith.constant 0 : i32
    %scan3A_4 = arith.constant 128 : i32
    %scan3A_5 = arith.addi %scan3A, %scan3A_4 : i32
    %scan3A_6 = arith.constant 1 : i32
    scf.for %scan3A_26 = %scan3A to %scan3A_5 step %scan3A_6  : i32 {
      %mul3A_27 = arith.constant 1 : i32
      %mul3A_28 = arith.muli %scan3A_26, %mul3A_27 : i32
      %add3A_29 = arith.constant 0 : i32
      %add3A_30 = arith.addi %add3A_29, %mul3A_28 : i32
      %swap3A = arith.index_cast %add3A_30 : i32 to index
      %swap3A_31 = arith.constant 0 : index
      %swap3A_32 = tpu.vector_load %arg7[%swap3A, %swap3A_31] {strides = array<i32>} : memref<128x16xf32, #tpu.memory_space<vmem>>, vector<16xf32>,
      tpu.vector_store %arg7[%swap3A, %swap3A_31], %broadcast_in_dim3A_3 {strides = array<i32>} : memref<128x16xf32, #tpu.memory_space<vmem>>, vector<16xf32>,
    }
    %scan3A_7 = arith.constant 128 : i32
    %add3A_8 = arith.constant 0 : i32
    %add3A_9 = arith.addi %mul3A_2, %add3A_8 : i32
    "tpu.region"() ({
      %run_scoped3A = tpu.sem_alloc : memref<!tpu.dma_semaphore, #tpu.memory_space<semaphore_mem>>
      %dma_start3A = arith.constant 0 : i32
      %dma_start3A_26 = tpu.memref_slice %arg8[%add3A_9, %dma_start3A] : memref<10240x16xf32, #tpu.memory_space<vmem_shared>> -> memref<128x16xf32, #tpu.memory_space<vmem_shared>>
      %dma_start3A_27 = arith.constant 0 : i32
      %dma_start3A_28 = tpu.memref_slice %arg8[%add3A_9, %dma_start3A_27] : memref<10240x16xf32, #tpu.memory_space<vmem_shared>> -> memref<128x16xf32, #tpu.memory_space<vmem_shared>>
      tpu.enqueue_dma source(%arg7 : memref<128x16xf32, #tpu.memory_space<vmem>>) target(%dma_start3A_28 : memref<128x16xf32, #tpu.memory_space<vmem_shared>>) target_semaphore(%run_scoped3A : memref<!tpu.dma_semaphore, #tpu.memory_space<semaphore_mem>>)
      %dma_wait3A = arith.constant 0 : i32
      %dma_wait3A_29 = tpu.memref_slice %arg8[%add3A_9, %dma_wait3A] : memref<10240x16xf32, #tpu.memory_space<vmem_shared>> -> memref<128x16xf32, #tpu.memory_space<vmem_shared>>
      %dma_wait3A_30 = arith.constant 0 : i32
      %dma_wait3A_31 = tpu.memref_slice %arg8[%add3A_9, %dma_wait3A_30] : memref<10240x16xf32, #tpu.memory_space<vmem_shared>> -> memref<128x16xf32, #tpu.memory_space<vmem_shared>>
      tpu.wait_dma2 semaphore(%run_scoped3A : memref<!tpu.dma_semaphore, #tpu.memory_space<semaphore_mem>>) src(%arg7 : memref<128x16xf32, #tpu.memory_space<vmem>>) dst(%dma_wait3A_31 : memref<128x16xf32, #tpu.memory_space<vmem_shared>>)
      tpu.yield
    }) : () -> ()
    %add3A_10 = arith.constant 128 : i32
    %add3A_11 = arith.addi %mul3A_2, %add3A_10 : i32
    "tpu.region"() ({
      %run_scoped3A = tpu.sem_alloc : memref<!tpu.dma_semaphore, #tpu.memory_space<semaphore_mem>>
      %dma_start3A = arith.constant 0 : i32
      %dma_start3A_26 = tpu.memref_slice %arg8[%add3A_11, %dma_start3A] : memref<10240x16xf32, #tpu.memory_space<vmem_shared>> -> memref<128x16xf32, #tpu.memory_space<vmem_shared>>
      %dma_start3A_27 = arith.constant 0 : i32
      %dma_start3A_28 = tpu.memref_slice %arg8[%add3A_11, %dma_start3A_27] : memref<10240x16xf32, #tpu.memory_space<vmem_shared>> -> memref<128x16xf32, #tpu.memory_space<vmem_shared>>
      tpu.enqueue_dma source(%arg7 : memref<128x16xf32, #tpu.memory_space<vmem>>) target(%dma_start3A_28 : memref<128x16xf32, #tpu.memory_space<vmem_shared>>) target_semaphore(%run_scoped3A : memref<!tpu.dma_semaphore, #tpu.memory_space<semaphore_mem>>)
      %dma_wait3A = arith.constant 0 : i32
      %dma_wait3A_29 = tpu.memref_slice %arg8[%add3A_11, %dma_wait3A] : memref<10240x16xf32, #tpu.memory_space<vmem_shared>> -> memref<128x16xf32, #tpu.memory_space<vmem_shared>>
      %dma_wait3A_30 = arith.constant 0 : i32
      %dma_wait3A_31 = tpu.memref_slice %arg8[%add3A_11, %dma_wait3A_30] : memref<10240x16xf32, #tpu.memory_space<vmem_shared>> -> memref<128x16xf32, #tpu.memory_space<vmem_shared>>
      tpu.wait_dma2 semaphore(%run_scoped3A : memref<!tpu.dma_semaphore, #tpu.memory_space<semaphore_mem>>) src(%arg7 : memref<128x16xf32, #tpu.memory_space<vmem>>) dst(%dma_wait3A_31 : memref<128x16xf32, #tpu.memory_space<vmem_shared>>)
      tpu.yield
    }) : () -> ()
    %add3A_12 = arith.constant 256 : i32
    %add3A_13 = arith.addi %mul3A_2, %add3A_12 : i32
    "tpu.region"() ({
      %run_scoped3A = tpu.sem_alloc : memref<!tpu.dma_semaphore, #tpu.memory_space<semaphore_mem>>
      %dma_start3A = arith.constant 0 : i32
      %dma_start3A_26 = tpu.memref_slice %arg8[%add3A_13, %dma_start3A] : memref<10240x16xf32, #tpu.memory_space<vmem_shared>> -> memref<128x16xf32, #tpu.memory_space<vmem_shared>>
      %dma_start3A_27 = arith.constant 0 : i32
      %dma_start3A_28 = tpu.memref_slice %arg8[%add3A_13, %dma_start3A_27] : memref<10240x16xf32, #tpu.memory_space<vmem_shared>> -> memref<128x16xf32, #tpu.memory_space<vmem_shared>>
      tpu.enqueue_dma source(%arg7 : memref<128x16xf32, #tpu.memory_space<vmem>>) target(%dma_start3A_28 : memref<128x16xf32, #tpu.memory_space<vmem_shared>>) target_semaphore(%run_scoped3A : memref<!tpu.dma_semaphore, #tpu.memory_space<semaphore_mem>>)
      %dma_wait3A = arith.constant 0 : i32
      %dma_wait3A_29 = tpu.memref_slice %arg8[%add3A_13, %dma_wait3A] : memref<10240x16xf32, #tpu.memory_space<vmem_shared>> -> memref<128x16xf32, #tpu.memory_space<vmem_shared>>
      %dma_wait3A_30 = arith.constant 0 : i32
      %dma_wait3A_31 = tpu.memref_slice %arg8[%add3A_13, %dma_wait3A_30] : memref<10240x16xf32, #tpu.memory_space<vmem_shared>> -> memref<128x16xf32, #tpu.memory_space<vmem_shared>>
      tpu.wait_dma2 semaphore(%run_scoped3A : memref<!tpu.dma_semaphore, #tpu.memory_space<semaphore_mem>>) src(%arg7 : memref<128x16xf32, #tpu.memory_space<vmem>>) dst(%dma_wait3A_31 : memref<128x16xf32, #tpu.memory_space<vmem_shared>>)
      tpu.yield
    }) : () -> ()
    %add3A_14 = arith.constant 384 : i32
    %add3A_15 = arith.addi %mul3A_2, %add3A_14 : i32
    "tpu.region"() ({
      %run_scoped3A = tpu.sem_alloc : memref<!tpu.dma_semaphore, #tpu.memory_space<semaphore_mem>>
      %dma_start3A = arith.constant 0 : i32
      %dma_start3A_26 = tpu.memref_slice %arg8[%add3A_15, %dma_start3A] : memref<10240x16xf32, #tpu.memory_space<vmem_shared>> -> memref<128x16xf32, #tpu.memory_space<vmem_shared>>
      %dma_start3A_27 = arith.constant 0 : i32
      %dma_start3A_28 = tpu.memref_slice %arg8[%add3A_15, %dma_start3A_27] : memref<10240x16xf32, #tpu.memory_space<vmem_shared>> -> memref<128x16xf32, #tpu.memory_space<vmem_shared>>
      tpu.enqueue_dma source(%arg7 : memref<128x16xf32, #tpu.memory_space<vmem>>) target(%dma_start3A_28 : memref<128x16xf32, #tpu.memory_space<vmem_shared>>) target_semaphore(%run_scoped3A : memref<!tpu.dma_semaphore, #tpu.memory_space<semaphore_mem>>)
      %dma_wait3A = arith.constant 0 : i32
      %dma_wait3A_29 = tpu.memref_slice %arg8[%add3A_15, %dma_wait3A] : memref<10240x16xf32, #tpu.memory_space<vmem_shared>> -> memref<128x16xf32, #tpu.memory_space<vmem_shared>>
      %dma_wait3A_30 = arith.constant 0 : i32
      %dma_wait3A_31 = tpu.memref_slice %arg8[%add3A_15, %dma_wait3A_30] : memref<10240x16xf32, #tpu.memory_space<vmem_shared>> -> memref<128x16xf32, #tpu.memory_space<vmem_shared>>
      tpu.wait_dma2 semaphore(%run_scoped3A : memref<!tpu.dma_semaphore, #tpu.memory_space<semaphore_mem>>) src(%arg7 : memref<128x16xf32, #tpu.memory_space<vmem>>) dst(%dma_wait3A_31 : memref<128x16xf32, #tpu.memory_space<vmem_shared>>)
      tpu.yield
    }) : () -> ()
    %add3A_16 = arith.constant 512 : i32
    %add3A_17 = arith.addi %mul3A_2, %add3A_16 : i32
    "tpu.region"() ({
      %run_scoped3A = tpu.sem_alloc : memref<!tpu.dma_semaphore, #tpu.memory_space<semaphore_mem>>
      %dma_start3A = arith.constant 0 : i32
      %dma_start3A_26 = tpu.memref_slice %arg8[%add3A_17, %dma_start3A] : memref<10240x16xf32, #tpu.memory_space<vmem_shared>> -> memref<128x16xf32, #tpu.memory_space<vmem_shared>>
      %dma_start3A_27 = arith.constant 0 : i32
      %dma_start3A_28 = tpu.memref_slice %arg8[%add3A_17, %dma_start3A_27] : memref<10240x16xf32, #tpu.memory_space<vmem_shared>> -> memref<128x16xf32, #tpu.memory_space<vmem_shared>>
      tpu.enqueue_dma source(%arg7 : memref<128x16xf32, #tpu.memory_space<vmem>>) target(%dma_start3A_28 : memref<128x16xf32, #tpu.memory_space<vmem_shared>>) target_semaphore(%run_scoped3A : memref<!tpu.dma_semaphore, #tpu.memory_space<semaphore_mem>>)
      %dma_wait3A = arith.constant 0 : i32
      %dma_wait3A_29 = tpu.memref_slice %arg8[%add3A_17, %dma_wait3A] : memref<10240x16xf32, #tpu.memory_space<vmem_shared>> -> memref<128x16xf32, #tpu.memory_space<vmem_shared>>
      %dma_wait3A_30 = arith.constant 0 : i32
      %dma_wait3A_31 = tpu.memref_slice %arg8[%add3A_17, %dma_wait3A_30] : memref<10240x16xf32, #tpu.memory_space<vmem_shared>> -> memref<128x16xf32, #tpu.memory_space<vmem_shared>>
      tpu.wait_dma2 semaphore(%run_scoped3A : memref<!tpu.dma_semaphore, #tpu.memory_space<semaphore_mem>>) src(%arg7 : memref<128x16xf32, #tpu.memory_space<vmem>>) dst(%dma_wait3A_31 : memref<128x16xf32, #tpu.memory_space<vmem_shared>>)
      tpu.yield
    }) : () -> ()
    %barrier3A = arith.constant 0 : index
    tpu.barrier barrier_id(%barrier3A)
    %broadcast_in_dim3A_18 = arith.constant 0 : i32
    %broadcast_in_dim3A_19 = vector.broadcast %broadcast_in_dim3A_18 : i32 to vector<16xi32>
    %scan3A_20 = arith.constant 0 : i32
    %scan3A_21 = arith.constant 40 : i32
    %scan3A_22 = arith.addi %scan3A_20, %scan3A_21 : i32
    %scan3A_23 = arith.constant 1 : i32
    scf.for %scan3A_26 = %scan3A_20 to %scan3A_22 step %scan3A_23  : i32 {
      %mul3A_27 = arith.constant 1 : i32
      %mul3A_28 = arith.muli %scan3A_26, %mul3A_27 : i32
      %add3A_29 = arith.constant 0 : i32
      %add3A_30 = arith.addi %add3A_29, %mul3A_28 : i32
      %get3A = arith.index_cast %add3A_30 : i32 to index
      %get3A_31 = arith.constant 0 : index
      %get3A_32 = tpu.vector_load %arg6[%get3A, %get3A_31] {strides = array<i32>} : memref<40x128xf32, #tpu.memory_space<vmem>>, vector<16xf32>,
      %iota3A = tpu.iota {dimensions = array<i32: 0>} : vector<16xi32>
      %add3A_33 = arith.constant 0 : i32
      %add3A_34 = vector.broadcast %add3A_33 : i32 to vector<16xi32>
      %add3A_35 = arith.addi %add3A_34, %iota3A : vector<16xi32>
      tpu.vector_store_idx %arg7[%add3A_35, %broadcast_in_dim3A_19], %get3A_32 : memref<128x16xf32, #tpu.memory_space<vmem>>[vector<16xi32>, vector<16xi32>], vector<16xf32>,
      %get3A_36 = arith.index_cast %add3A_30 : i32 to index
      %get3A_37 = arith.constant 16 : index
      %get3A_38 = tpu.vector_load %arg6[%get3A_36, %get3A_37] {strides = array<i32>} : memref<40x128xf32, #tpu.memory_space<vmem>>, vector<16xf32>,
      %iota3A_39 = tpu.iota {dimensions = array<i32: 0>} : vector<16xi32>
      %add3A_40 = arith.constant 16 : i32
      %add3A_41 = vector.broadcast %add3A_40 : i32 to vector<16xi32>
      %add3A_42 = arith.addi %add3A_41, %iota3A_39 : vector<16xi32>
      tpu.vector_store_idx %arg7[%add3A_42, %broadcast_in_dim3A_19], %get3A_38 : memref<128x16xf32, #tpu.memory_space<vmem>>[vector<16xi32>, vector<16xi32>], vector<16xf32>,
      %get3A_43 = arith.index_cast %add3A_30 : i32 to index
      %get3A_44 = arith.constant 32 : index
      %get3A_45 = tpu.vector_load %arg6[%get3A_43, %get3A_44] {strides = array<i32>} : memref<40x128xf32, #tpu.memory_space<vmem>>, vector<16xf32>,
      %iota3A_46 = tpu.iota {dimensions = array<i32: 0>} : vector<16xi32>
      %add3A_47 = arith.constant 32 : i32
      %add3A_48 = vector.broadcast %add3A_47 : i32 to vector<16xi32>
      %add3A_49 = arith.addi %add3A_48, %iota3A_46 : vector<16xi32>
      tpu.vector_store_idx %arg7[%add3A_49, %broadcast_in_dim3A_19], %get3A_45 : memref<128x16xf32, #tpu.memory_space<vmem>>[vector<16xi32>, vector<16xi32>], vector<16xf32>,
      %get3A_50 = arith.index_cast %add3A_30 : i32 to index
      %get3A_51 = arith.constant 48 : index
      %get3A_52 = tpu.vector_load %arg6[%get3A_50, %get3A_51] {strides = array<i32>} : memref<40x128xf32, #tpu.memory_space<vmem>>, vector<16xf32>,
      %iota3A_53 = tpu.iota {dimensions = array<i32: 0>} : vector<16xi32>
      %add3A_54 = arith.constant 48 : i32
      %add3A_55 = vector.broadcast %add3A_54 : i32 to vector<16xi32>
      %add3A_56 = arith.addi %add3A_55, %iota3A_53 : vector<16xi32>
      tpu.vector_store_idx %arg7[%add3A_56, %broadcast_in_dim3A_19], %get3A_52 : memref<128x16xf32, #tpu.memory_space<vmem>>[vector<16xi32>, vector<16xi32>], vector<16xf32>,
      %get3A_57 = arith.index_cast %add3A_30 : i32 to index
      %get3A_58 = arith.constant 64 : index
      %get3A_59 = tpu.vector_load %arg6[%get3A_57, %get3A_58] {strides = array<i32>} : memref<40x128xf32, #tpu.memory_space<vmem>>, vector<16xf32>,
      %iota3A_60 = tpu.iota {dimensions = array<i32: 0>} : vector<16xi32>
      %add3A_61 = arith.constant 64 : i32
      %add3A_62 = vector.broadcast %add3A_61 : i32 to vector<16xi32>
      %add3A_63 = arith.addi %add3A_62, %iota3A_60 : vector<16xi32>
      tpu.vector_store_idx %arg7[%add3A_63, %broadcast_in_dim3A_19], %get3A_59 : memref<128x16xf32, #tpu.memory_space<vmem>>[vector<16xi32>, vector<16xi32>], vector<16xf32>,
      %get3A_64 = arith.index_cast %add3A_30 : i32 to index
      %get3A_65 = arith.constant 80 : index
      %get3A_66 = tpu.vector_load %arg6[%get3A_64, %get3A_65] {strides = array<i32>} : memref<40x128xf32, #tpu.memory_space<vmem>>, vector<16xf32>,
      %iota3A_67 = tpu.iota {dimensions = array<i32: 0>} : vector<16xi32>
      %add3A_68 = arith.constant 80 : i32
      %add3A_69 = vector.broadcast %add3A_68 : i32 to vector<16xi32>
      %add3A_70 = arith.addi %add3A_69, %iota3A_67 : vector<16xi32>
      tpu.vector_store_idx %arg7[%add3A_70, %broadcast_in_dim3A_19], %get3A_66 : memref<128x16xf32, #tpu.memory_space<vmem>>[vector<16xi32>, vector<16xi32>], vector<16xf32>,
      %get3A_71 = arith.index_cast %add3A_30 : i32 to index
      %get3A_72 = arith.constant 96 : index
      %get3A_73 = tpu.vector_load %arg6[%get3A_71, %get3A_72] {strides = array<i32>} : memref<40x128xf32, #tpu.memory_space<vmem>>, vector<16xf32>,
      %iota3A_74 = tpu.iota {dimensions = array<i32: 0>} : vector<16xi32>
      %add3A_75 = arith.constant 96 : i32
      %add3A_76 = vector.broadcast %add3A_75 : i32 to vector<16xi32>
      %add3A_77 = arith.addi %add3A_76, %iota3A_74 : vector<16xi32>
      tpu.vector_store_idx %arg7[%add3A_77, %broadcast_in_dim3A_19], %get3A_73 : memref<128x16xf32, #tpu.memory_space<vmem>>[vector<16xi32>, vector<16xi32>], vector<16xf32>,
      %get3A_78 = arith.index_cast %add3A_30 : i32 to index
      %get3A_79 = arith.constant 112 : index
      %get3A_80 = tpu.vector_load %arg6[%get3A_78, %get3A_79] {strides = array<i32>} : memref<40x128xf32, #tpu.memory_space<vmem>>, vector<16xf32>,
      %iota3A_81 = tpu.iota {dimensions = array<i32: 0>} : vector<16xi32>
      %add3A_82 = arith.constant 112 : i32
      %add3A_83 = vector.broadcast %add3A_82 : i32 to vector<16xi32>
      %add3A_84 = arith.addi %add3A_83, %iota3A_81 : vector<16xi32>
      tpu.vector_store_idx %arg7[%add3A_84, %broadcast_in_dim3A_19], %get3A_80 : memref<128x16xf32, #tpu.memory_space<vmem>>[vector<16xi32>, vector<16xi32>], vector<16xf32>,
      "tpu.region"() ({
        %run_scoped3A = tpu.sem_alloc : memref<!tpu.dma_semaphore, #tpu.memory_space<semaphore_mem>>
        %dma_start3A = arith.constant 0 : i32
        %dma_start3A_85 = tpu.memref_slice %arg5[%add3A_30, %dma_start3A] : memref<40x128xi32, #tpu.memory_space<vmem>> -> memref<1x128xi32, #tpu.memory_space<vmem>>
        %dma_start3A_86 = tpu.memref_squeeze %dma_start3A_85 : memref<1x128xi32, #tpu.memory_space<vmem>> -> memref<128xi32, #tpu.memory_space<vmem>>
        %dma_start3A_87 = arith.constant 0 : i32
        %dma_start3A_88 = arith.constant 0 : i32
        %dma_start3A_89 = tpu.memref_slice %arg8[%dma_start3A_87, %dma_start3A_88] : memref<10240x16xf32, #tpu.memory_space<vmem_shared>> -> memref<10240x16xf32, #tpu.memory_space<vmem_shared>>
        tpu.enqueue_indirect_dma source(%arg7 : memref<128x16xf32, #tpu.memory_space<vmem>>) target(%dma_start3A_89 : memref<10240x16xf32, #tpu.memory_space<vmem_shared>>) offsets(%dma_start3A_86 : memref<128xi32, #tpu.memory_space<vmem>>) semaphore(%run_scoped3A : memref<!tpu.dma_semaphore, #tpu.memory_space<semaphore_mem>>) {add = true}
        %dma_wait3A = arith.constant 0 : i32
        %dma_wait3A_90 = tpu.memref_slice %arg5[%add3A_30, %dma_wait3A] : memref<40x128xi32, #tpu.memory_space<vmem>> -> memref<1x128xi32, #tpu.memory_space<vmem>>
        %dma_wait3A_91 = tpu.memref_squeeze %dma_wait3A_90 : memref<1x128xi32, #tpu.memory_space<vmem>> -> memref<128xi32, #tpu.memory_space<vmem>>
        %dma_wait3A_92 = arith.constant 0 : i32
        %dma_wait3A_93 = arith.constant 0 : i32
        %dma_wait3A_94 = tpu.memref_slice %arg8[%dma_wait3A_92, %dma_wait3A_93] : memref<10240x16xf32, #tpu.memory_space<vmem_shared>> -> memref<10240x16xf32, #tpu.memory_space<vmem_shared>>
        tpu.wait_indirect_dma semaphore(%run_scoped3A : memref<!tpu.dma_semaphore, #tpu.memory_space<semaphore_mem>>) src(%arg7 : memref<128x16xf32, #tpu.memory_space<vmem>>) dst(%dma_wait3A_94 : memref<10240x16xf32, #tpu.memory_space<vmem_shared>>)
        tpu.yield
      }) : () -> ()
    }
    %scan3A_24 = arith.constant 40 : i32
    %barrier3A_25 = arith.constant 0 : index
    tpu.barrier barrier_id(%barrier3A_25)
    "tpu.region"() ({
      %run_scoped3A = tpu.sem_alloc : memref<!tpu.dma_semaphore, #tpu.memory_space<semaphore_mem>>
      %dma_start3A = arith.constant 0 : i32
      %dma_start3A_26 = tpu.memref_slice %arg4[%arg0, %mul3A_2, %dma_start3A] : memref<2x10240x16xf32, #tpu.memory_space<hbm>> -> memref<1x640x16xf32, #tpu.memory_space<hbm>>
      %dma_start3A_27 = tpu.memref_squeeze %dma_start3A_26 : memref<1x640x16xf32, #tpu.memory_space<hbm>> -> memref<640x16xf32, #tpu.memory_space<hbm>>
      %dma_start3A_28 = arith.constant 0 : i32
      %dma_start3A_29 = tpu.memref_slice %arg8[%mul3A_2, %dma_start3A_28] : memref<10240x16xf32, #tpu.memory_space<vmem_shared>> -> memref<640x16xf32, #tpu.memory_space<vmem_shared>>
      tpu.enqueue_dma source(%dma_start3A_29 : memref<640x16xf32, #tpu.memory_space<vmem_shared>>) target(%dma_start3A_27 : memref<640x16xf32, #tpu.memory_space<hbm>>) target_semaphore(%run_scoped3A : memref<!tpu.dma_semaphore, #tpu.memory_space<semaphore_mem>>)
      %dma_wait3A = arith.constant 0 : i32
      %dma_wait3A_30 = tpu.memref_slice %arg4[%arg0, %mul3A_2, %dma_wait3A] : memref<2x10240x16xf32, #tpu.memory_space<hbm>> -> memref<1x640x16xf32, #tpu.memory_space<hbm>>
      %dma_wait3A_31 = tpu.memref_squeeze %dma_wait3A_30 : memref<1x640x16xf32, #tpu.memory_space<hbm>> -> memref<640x16xf32, #tpu.memory_space<hbm>>
      %dma_wait3A_32 = arith.constant 0 : i32
      %dma_wait3A_33 = tpu.memref_slice %arg8[%mul3A_2, %dma_wait3A_32] : memref<10240x16xf32, #tpu.memory_space<vmem_shared>> -> memref<640x16xf32, #tpu.memory_space<vmem_shared>>
      tpu.wait_dma2 semaphore(%run_scoped3A : memref<!tpu.dma_semaphore, #tpu.memory_space<semaphore_mem>>) src(%dma_wait3A_33 : memref<640x16xf32, #tpu.memory_space<vmem_shared>>) dst(%dma_wait3A_31 : memref<640x16xf32, #tpu.memory_space<hbm>>)
      tpu.yield
    }) : () -> ()
    return
  }
}

</mosaic_0001>

<sc_bundles>
// kernel: _deg_call.3.cloned.1.call-start
scs
__scs_entry_jumppad:
0x0: {  	(pc) =	sbr.rel $0x88, $3  }
0x1: {  	(tag) =	ssettag $0x0;
	lr =	simm.s32 $0x1  }
0x2: {  	[smem:$0x3F9F] =	sst lr;
	_ =	strace $0xD0000000  }
0x3: {  	_ = 	snop  }
0x4: {  	_ = 	snop  }
0x5: {  	_ = 	snop  }
0x6: {  	_ = 	snop  }
0x7: {  	_ = 	snop  }
__scs_overlays_trampoline_lowered:
0x8: {  	[smem:$0x3FAE] =	sst s0  }
0x9: {  	[smem:$0x3FAF] =	sst s1  }
0xa: {  	[smem:$0x3FB0] =	sst s2  }
0xb: {  	[smem:$0x3FB1] =	sst s3  }
0xc: {  	[smem:$0x3FB2] =	sst s4  }
0xd: {  	[smem:$0x3FB3] =	sst s5  }
0xe: {  	[smem:$0x3FB4] =	sst s6  }
0xf: {  	[smem:$0x3FB5] =	sst s7  }
0x10: {  	[smem:$0x3FB6] =	sst s8  }
0x11: {  	[smem:$0x3FB7] =	sst s9;
	s0 =	simm.s32 @!p0 $0x0  }
0x12: {  	s1 =	sld [smem:$0x3F9D];
	s0 =	simm.s32 @p0 $0x1  }
0x13: {  	[smem:$0x3FB8] =	sst s0;
	s0 =	simm.s32 @!p1 $0x0  }
0x14: {  	s2 =	sld [smem:$0x3F9C];
	s0 =	simm.s32 @p1 $0x1  }
0x15: {  	[smem:$0x3FB9] =	sst s0;
	s0 =	simm.s32 @!p2 $0x0  }
0x16: {  	s3 =	sld [smem:$0x3FDB];
	s0 =	simm.s32 @p2 $0x1  }
0x17: {  	s4 =	simm.s32 $0x1BF5;
	[smem:$0x3FBB] =	sst s0  }
0x18: {  	s0 =	sld [smem:$0x3F9E];
	_ =	swait.ge [sflag:s4], $0x0  }
0x19: {  	s7 =	sld [smem:$0x3F9F]  }
0x1a: {  	s8 =	sadd.s32 $0xFFFFE003, lr  }
0x1b: {  	s9 =	sadd.s32 $0xFFFFFEF7, lr;
	s5 =	simm.s32 $0xFFFFFFFF;
	p2 =	slt.u32 s8, $0xFFFFF086  }
0x1c: {  	p1 =	slt.u32 s9, $0xF7A;
	s5 =	simm.s32 @!p2 $0x0  }
0x1d: {  	s5 =	simm.s32 @p1 $0x1;
	p0 =	seq.s32 s7, s2  }
0x1e: {  	s7 =	smul.u32 @!p0 $0xF7A, s2;
	p2 =	seq.s32 @!p0 s5, $0x0  }
0x1f: {  	s9 =	smul.u32 $0xF7A, s1;
	s8 =	simm.s32 @!p0 $0x1BF5;
	p2 =	por !p2, p0  }
0x20: {  	[sflag:s8] =	ssyncset.s32 @!p0 $0xFFFFF086;
	s6 =	sadd.s32 @!p0 s3, s7;
	s7 =	simm.s32 @!p0 $0x108  }
0x21: {  	s3 =	sadd.s32 s3, s9;
	s6 =	sadd.s32 @!p0 $0x88, s6;
	s7 =	simm.s32 @p2 $0x1082  }
0x22: {  	[simem:s7], [sflag:s8] =	dma.local @!p0 [hbm:s6], $0xF7A  }
0x23: {  	s9 =	sor.u32 $0xD0000000, s2;
	s6 =	simm.s32 $0x108;
	_ =	swait.ge @!p0 [sflag:s8], $0x0  }
0x24: {  	s3 =	sadd.s32 $0x88, s3;
	s6 =	simm.s32 @!p1 $0x1082;
	[sflag:s4] =	ssyncset.s32 $0xFFFFF086  }
0x25: {  	[simem:s6], [sflag:s4] =	dma.local [hbm:s3], $0xF7A  }
0x26: {  	[smem:$0x3F9F] =	sst s1;
	(tag) =	ssettag s2;
	_ =	strace s9  }
0x27: {  	s1 =	sld [smem:$0x3FAF]  }
0x28: {  	s2 =	sld [smem:$0x3FB0]  }
0x29: {  	s4 =	sld [smem:$0x3FB2]  }
0x2a: {  	p0 =	seq.s32 s5, $0x0;
	s5 =	sld [smem:$0x3FB3]  }
0x2b: {  	s6 =	sld [smem:$0x3FB4]  }
0x2c: {  	s7 =	sld [smem:$0x3FB5]  }
0x2d: {  	s3 =	simm.s32 $0x108;
	s8 =	sld [smem:$0x3FB6]  }
0x2e: {  	s3 =	simm.s32 @!p0 $0x1082;
	s9 =	sld [smem:$0x3FB7]  }
0x2f: {  	lr =	sadd.s32 s0, s3;
	s0 =	sld [smem:$0x3FAE]  }
0x30: {  	s3 =	sld [smem:$0x3FB1]  }
0x31: {  	[smem:$0x3FBA] =	sst s10  }
0x32: {  	s10 =	sld [smem:$0x3FB8];
	_ =	sdelay $0x3  }
0x33: {  	p0 =	seq.s32 s10, $0x1;
	s10 =	sld [smem:$0x3FBA];
	_ =	sdelay $0x3  }
0x34: {  	[smem:$0x3FBA] =	sst s10  }
0x35: {  	s10 =	sld [smem:$0x3FB9];
	_ =	sdelay $0x3  }
0x36: {  	p1 =	seq.s32 s10, $0x1;
	s10 =	sld [smem:$0x3FBA];
	_ =	sdelay $0x3  }
0x37: {  	[smem:$0x3FBA] =	sst s10  }
0x38: {  	s10 =	sld [smem:$0x3FBB]  }
0x39: {  	_ = 	snop;
	(pc) =	sbr.ind lr, $3  }
0x3a: {  	_ = 	snop  }
0x3b: {  	_ = 	snop  }
0x3c: {  	p2 =	seq.s32 s10, $0x1;
	s10 =	sld [smem:$0x3FBA]  }
0x3d: {  	_ =	shalt  }
0x3e: {  	_ =	shalt  }
0x3f: {  	_ =	shalt  }
0x40: {  	_ =	shalt  }
0x41: {  	_ =	shalt  }
0x42: {  	_ =	shalt  }
0x43: {  	_ =	shalt  }
0x44: {  	_ =	shalt  }
0x45: {  	_ =	shalt  }
0x46: {  	_ =	shalt  }
0x47: {  	_ =	shalt  }
0x48: {  	_ =	shalt  }
0x49: {  	_ =	shalt  }
0x4a: {  	_ =	shalt  }
0x4b: {  	_ =	shalt  }
0x4c: {  	_ =	shalt  }
0x4d: {  	_ =	shalt  }
0x4e: {  	_ =	shalt  }
0x4f: {  	_ =	shalt  }
0x50: {  	_ =	shalt  }
0x51: {  	_ =	shalt  }
0x52: {  	_ =	shalt  }
0x53: {  	_ =	shalt  }
0x54: {  	_ =	shalt  }
0x55: {  	_ =	shalt  }
0x56: {  	_ =	shalt  }
0x57: {  	_ =	shalt  }
0x58: {  	_ =	shalt  }
0x59: {  	_ =	shalt  }
0x5a: {  	_ =	shalt  }
0x5b: {  	_ =	shalt  }
0x5c: {  	_ =	shalt  }
0x5d: {  	_ =	shalt  }
0x5e: {  	_ =	shalt  }
0x5f: {  	_ =	shalt  }
0x60: {  	_ =	shalt  }
0x61: {  	_ =	shalt  }
0x62: {  	_ =	shalt  }
0x63: {  	_ =	shalt  }
0x64: {  	_ =	shalt  }
0x65: {  	_ =	shalt  }
0x66: {  	_ =	shalt  }
0x67: {  	_ =	shalt  }
0x68: {  	_ =	shalt  }
0x69: {  	_ =	shalt  }
0x6a: {  	_ =	shalt  }
0x6b: {  	_ =	shalt  }
0x6c: {  	_ =	shalt  }
0x6d: {  	_ =	shalt  }
0x6e: {  	_ =	shalt  }
0x6f: {  	_ =	shalt  }
0x70: {  	_ =	shalt  }
0x71: {  	_ =	shalt  }
0x72: {  	_ =	shalt  }
0x73: {  	_ =	shalt  }
0x74: {  	_ =	shalt  }
0x75: {  	_ =	shalt  }
0x76: {  	_ =	shalt  }
0x77: {  	_ =	shalt  }
0x78: {  	_ =	shalt  }
0x79: {  	_ =	shalt  }
0x7a: {  	_ =	shalt  }
0x7b: {  	_ =	shalt  }
0x7c: {  	_ =	shalt  }
0x7d: {  	_ =	shalt  }
0x7e: {  	_ =	shalt  }
0x7f: {  	_ =	shalt  }
0x80: {  	_ =	shalt  }
0x81: {  	_ =	shalt  }
0x82: {  	_ =	shalt  }
0x83: {  	_ =	shalt  }
0x84: {  	_ =	shalt  }
0x85: {  	_ =	shalt  }
0x86: {  	_ =	shalt  }
0x87: {  	_ =	shalt  }
.Lfunc_end0:
.L_simem_size_0:
called_computation_lowered:
.L_overlay_start_0:
0x88: {  	s2 =	sld [smem:$0x3FD9]  }
0x89: {  	s3 =	sld [smem:$0x3FFE];
	_ =	sdelay $0x1  }
0x8a: {  	s1 =	srdreg.scid  }
0x8b: {  	s0 =	sand.u32 $0x1, s1  }
0x8c: {  	s17 =	sshll.u32 s0, $0xA;
	s2 =	sadd.s32 s3, s2  }
0x8d: {  	s2 =	sadd.s32 s2, s17  }
0x8e: {  	[smem:$0x3FC6] =	sst s2  }
0x8f: {  	_ = 	snop  }
0x90: {  	s2 =	sld [smem:$0x3FC9]  }
0x91: {  	s18 =	sld [smem:$0x3FC8];
	(tm) =	ssettm $0x1  }
0x92: {  	s4 =	sld [smem:$0x3FFB];
	_ =	sdelay $0x3  }
0x93: {  	_ =	strace s4  }
0x94: {  	s4 =	sld [smem:$0x3FFC];
	_ =	sdelay $0x3  }
0x95: {  	_ =	strace s4  }
0x96: {  	s4 =	sld [smem:$0x3FFD];
	_ =	sdelay $0x3  }
0x97: {  	_ =	strace s4  }
0x98: {  	_ =	strace $0x8FFFFFFF  }
0x99: {  	s19 =	sld [smem:$0x3FDB];
	_ =	sdelay $0x1  }
0x9a: {  	s5 =	simm.s32 $_scs_section_size  }
0x9b: {  	s6 =	simm.s32 $_size__tile_overlayer_lowered;
	s7 =	simm.s32 $_tile_overlayer_lowered  }
0x9c: {  	s22 =	simm.s32 $0x1BFF;
	s21 =	sshll.u32 s7, $0x1;
	s4 =	sadd.s32 s5, s19  }
0x9d: {  	s8 =	simm.s32 $0x0;
	s20 =	sshll.u32 s6, $0x1;
	s6 =	sadd.s32 s21, s4  }
0x9e: {  	[timem:s8], [sflag:s22] =	dma.local [hbm:s6], s20  }
0x9f: {  	_ =	swait.ge [sflag:s22], s20  }
0xa0: {  	s5 =	ssub.s32 $0x0, s20;
	[sflag:s22] =	ssyncset.done $0x0  }
0xa1: {  	[sflag:s22] =	ssyncadd.s32 s5;
	_ =	sdelay $0x1  }
0xa2: {  	s23 =	simm.s32 $0x1B8B  }
0xa3: {  	_ =	swait.ge [sflag:s23], $0x1  }
0xa4: {  	[sflag:s23] =	ssyncset.done $0x0  }
0xa5: {  	s25 =	simm.s32 $0x1B8E;
	s24 =	sld [smem:$0x3FFE];
	[sflag:s23] =	ssyncadd.s32 $0xFFFFFFFF  }
0xa6: {  	s26 =	simm.s32 $execute0_lowered;
	[smem:$0x3FD2] =	sst s25  }
0xa7: {  	s6 =	sshll.u32 s26, $0x1;
	_ =	strace $0x80000046;
	[dreg:$0x1] =	wrdreg $0xFFFFFFFF  }
0xa8: {  	s28 =	simm.s32 $_size_execute0_lowered;
	s4 =	sadd.s32 s4, s6;
	[dreg:$0x0] =	wrdreg $0x0  }
0xa9: {  	s6 =	sshll.u32 s28, $0x1;
	[dreg:$0x2] =	wrdreg s4  }
0xaa: {  	[dreg:$0x3] =	wrdreg s6  }
0xab: {  	[dreg:$0x4] =	wrdreg $0xC0  }
0xac: {  	_ =	task [dreg:s8], $0x5FFFF  }
0xad: {  	[dreg:$0x1] =	wrdreg $0xFFFFFFFF  }
0xae: {  	[dreg:$0x0] =	wrdreg $0x60  }
0xaf: {  	[dreg:$0x2] =	wrdreg s2  }
0xb0: {  	[dreg:$0x3] =	wrdreg s18  }
0xb1: {  	[dreg:$0x4] =	wrdreg s24  }
0xb2: {  	[dreg:$0x5] =	wrdreg $0x68000  }
0xb3: {  	[dreg:$0x6] =	wrdreg $0x9  }
0xb4: {  	_ =	task.clear_ibuf [dreg:s8], $0x7FFFF;
	_ =	strace $0x90000046  }
0xb5: {  	s29 =	simm.s32 $0x9;
	_ =	strace $0x80000048  }
0xb6: {  	_ =	swait.ge [sflag:s29], $0x1  }
0xb7: {  	[sflag:s29] =	ssyncadd.s32 $0xFFFFFFFF  }
0xb8: {  	_ =	strace $0x90000048  }
0xb9: {  	_ =	sfence  }
0xba: {  	s30 =	sld [smem:$0x0];
	_ =	sdelay $0x2  }
0xbb: {  	s31 =	sshll.u32 s1, $0xD;
	s1 =	sshrl.u32 s1, $0x2  }
0xbc: {  	s3 =	sand.u32 $0x4000, s31;
	s1 =	sadd.s32 s1, s30  }
0xbd: {  	s0 =	sor.u32 s3, s0;
	s1 =	sshll.u32 s1, $0x11  }
0xbe: {  	s0 =	sor.u32 s1, s0  }
0xbf: {  	s0 =	sadd.s32 $0x8F2B, s0  }
0xc0: {  	[sflag:s0] =	ssyncadd.remote.s32 $0x1  }
0xc1: {  	_ =	sfence.sel $0xFFFF  }
0xc2: {  	[dreg:$0x0] =	wrdreg $0xFFFFFFFF;
	(pc) =	sbr.abs _section_cstart, $3  }
0xc3: {  	[dreg:$0x1] =	wrdreg $0xFFFFFFFF  }
0xc4: {  	_ =	task.clear_ibuf [dreg:s8], $0x2FFFF;
	_ =	strace $0x9FFFFFFF  }
0xc5: {  	(tm) =	ssettm $0x7FFFFFFF  }
tec
execute0_lowered:
.L_overlay_start_1:
0x0: {  	(tag) =	ssettag $0x1  }
0x1: {  	s4 =	rddreg [dreg:$0x0]  }
0x2: {  	s6 =	rddreg [dreg:$0x1]  }
0x3: {  	s5 =	rddreg [dreg:$0x2]  }
0x4: {  	s1 =	rddreg [dreg:$0x3];
	s2 =	srdreg.scid  }
0x5: {  	s0 =	rddreg [dreg:$0x4];
	s3 =	simm.s32 $0x0;
	s13 =	simm.s32 $0x1  }
0x6: {  	s14 =	simm.s32 $0x1400;
	s15 =	simm.s32 $0x2800;
	s7 =	sand.u32 $0x1, s2  }
0x7: {  	s16 =	simm.s32 $0x80;
	s2 =	stileid.u32;
	s8 =	smul.u32 $0x140000, s7  }
0x8: {  	s19 =	simm.s32 $0x0;
	[smem:$0x7FF] =	sst s3;
	s9 =	smul.u32 $0x14000, s2  }
0x9: {  	_ =	strace $0x80000047;
	s10 =	sshll.u32 s7, $0x4;
	s29 =	smul.u32 $0x50000, s2  }
0xa: {  	s7 =	ssub.s32 $0x2, s7;
	s17 =	sshll.u32 s2, $0x6;
	s28 =	sor.u32 s2, s10  }
0xb: {  	v0 =	vlaneseq.u32;
	s30 =	sshrl.u32 s7, $0x1;
	s17 =	sor.u32 $0x1C01, s17;
	s8 =	sadd.s32 s9, s8  }
0xc: {  	v0 =	vmul.u32 $0x80, v0;
	s9 =	smul.u32 $0x280, s28;
	s12 =	ssub.s32 s7, s30;
	s8 =	sshrl.u32 s8, $0x3  }
0xd: {  	s31 =	sshrl.u32 s29, $0x2;
	s12 =	smax.u32 s12, $0x1;
	s11 =	sadd.s32 s8, s5  }
0xe: {  	v1 =	vimm.f32 $0.0e+00;
	v2 =	vor.u32 $0x800, v0;
	s4 =	sadd.s32 s4, s9;
	s5 =	sadd.s32 s31, s1;
	s6 =	sadd.s32 s6, s9  }
0xf: {  	v3 =	vor.u32 $0x1000, v0;
	v4 =	vor.u32 $0x1800, v0;
	v5 =	vor.u32 $0x2000, v0;
	s7 =	sadd.s32 $0x4000, s5;
	s8 =	sadd.s32 $0x8000, s5;
	s9 =	sadd.s32 $0xC000, s5  }
0x10: {  	v6 =	vor.u32 $0x2800, v0;
	v7 =	vor.u32 $0x3000, v0;
	v8 =	vor.u32 $0x3800, v0;
	s10 =	sadd.s32 $0x10000, s5;
	s11 =	sadd.s32 $0x400, s11;
	s18 =	sshrl.u32 s5, $0x3  }
.LBB2_1:
0x11: {  	[tilespmem:s3], [sflag:$0x1] =	stream.linear.gather [hbm4b:s4+s3], $0x1400, $0x38;
	[tilespmem:$0x9000] =	vst v63  }
0x12: {  	_ =	swait.ge [sflag:s13], $0x1400  }
0x13: {  	[sflag:s13] =	ssyncset.done $0x0  }
0x14: {  	[sflag:s13] =	ssyncadd.s32 $0xFFFFEC00  }
0x15: {  	[tilespmem:s14], [sflag:$0x1] =	stream.linear.gather [hbm4b:s6+s3], $0x1400, $0x38;
	[tilespmem:$0x9000] =	vst v63  }
0x16: {  	_ =	swait.ge [sflag:s13], $0x1400  }
0x17: {  	[sflag:s13] =	ssyncset.done $0x0  }
0x18: {  	s20 =	simm.s32 $0x200;
	s21 =	simm.s32 $0x0;
	[sflag:s13] =	ssyncadd.s32 $0xFFFFEC00  }
.LBB2_2:
0x19: {  	p0 =	sne.s32 s20, $0xFE00;
	[tilespmem:s21+$0x2800] =	vst v1;
	s21 =	smov.u32 s20;
	s20 =	sadd.s32 $0x200, s20  }
.Ltmp0:
0x1a: {  	(pc) =	sbr.rel @p0 .LBB2_2-.Ltmp0, $2  }
0x1b: {  	_ =	sdelay $0x2  }
0x1c: {  	s21 =	sshra.s32 s21, $0x2  }
0x1d: {  	[tilespmem:s21+$0x2800] =	vst v1  }
0x1e: {  	[spmem:s5] =	stream.linear.scatter [tilespmem:s15], [sflag:$0x1], $0x4000, $0x38;
	[tilespmem:$0x9000] =	vst v63  }
0x1f: {  	_ =	swait.ge [sflag:s13], $0x4000  }
0x20: {  	[sflag:s13] =	ssyncset.done $0x0  }
0x21: {  	[sflag:s13] =	ssyncadd.s32 $0xFFFFC000  }
0x22: {  	[spmem:s7] =	stream.linear.scatter [tilespmem:s15], [sflag:$0x1], $0x4000, $0x38;
	[tilespmem:$0x9000] =	vst v63  }
0x23: {  	_ =	swait.ge [sflag:s13], $0x4000  }
0x24: {  	[sflag:s13] =	ssyncset.done $0x0  }
0x25: {  	[sflag:s13] =	ssyncadd.s32 $0xFFFFC000  }
0x26: {  	[spmem:s8] =	stream.linear.scatter [tilespmem:s15], [sflag:$0x1], $0x4000, $0x38;
	[tilespmem:$0x9000] =	vst v63  }
0x27: {  	_ =	swait.ge [sflag:s13], $0x4000  }
0x28: {  	[sflag:s13] =	ssyncset.done $0x0  }
0x29: {  	[sflag:s13] =	ssyncadd.s32 $0xFFFFC000  }
0x2a: {  	[spmem:s9] =	stream.linear.scatter [tilespmem:s15], [sflag:$0x1], $0x4000, $0x38;
	[tilespmem:$0x9000] =	vst v63  }
0x2b: {  	_ =	swait.ge [sflag:s13], $0x4000  }
0x2c: {  	[sflag:s13] =	ssyncset.done $0x0  }
0x2d: {  	[sflag:s13] =	ssyncadd.s32 $0xFFFFC000  }
0x2e: {  	[spmem:s10] =	stream.linear.scatter [tilespmem:s15], [sflag:$0x1], $0x4000, $0x38;
	[tilespmem:$0x9000] =	vst v63  }
0x2f: {  	_ =	swait.ge [sflag:s13], $0x4000  }
0x30: {  	[sflag:s13] =	ssyncset.done $0x0  }
0x31: {  	[sflag:s13] =	ssyncadd.s32 $0xFFFFC000  }
0x32: {  	s20 =	simm.s32 $0x0;
	[bflag:$0x0] =	sbarrier.arrive $0xFFFF  }
0x33: {  	v9 =	vld [tilespmem:s20+$0x1400];
	_ =	sdelay $0x4  }
0x34: {  	[tilespmem:v0+s15+$0x0] =	vst.idx.msk $0xffff, v9  }
0x35: {  	v9 =	vld [tilespmem:s20+$0x1410];
	_ =	sdelay $0x4  }
0x36: {  	[tilespmem:v2+s15+$0x0] =	vst.idx.msk $0xffff, v9  }
0x37: {  	v9 =	vld [tilespmem:s20+$0x1420];
	_ =	sdelay $0x4  }
0x38: {  	[tilespmem:v3+s15+$0x0] =	vst.idx.msk $0xffff, v9  }
0x39: {  	v9 =	vld [tilespmem:s20+$0x1430];
	_ =	sdelay $0x4  }
0x3a: {  	[tilespmem:v4+s15+$0x0] =	vst.idx.msk $0xffff, v9  }
0x3b: {  	v9 =	vld [tilespmem:s20+$0x1440];
	_ =	sdelay $0x4  }
0x3c: {  	[tilespmem:v5+s15+$0x0] =	vst.idx.msk $0xffff, v9  }
0x3d: {  	v9 =	vld [tilespmem:s20+$0x1450];
	_ =	sdelay $0x4  }
0x3e: {  	[tilespmem:v6+s15+$0x0] =	vst.idx.msk $0xffff, v9  }
0x3f: {  	v9 =	vld [tilespmem:s20+$0x1460];
	_ =	sdelay $0x4  }
0x40: {  	[tilespmem:v7+s15+$0x0] =	vst.idx.msk $0xffff, v9  }
0x41: {  	v9 =	vld [tilespmem:s20+$0x1470];
	_ =	sdelay $0x4  }
0x42: {  	[tilespmem:v8+s15+$0x0] =	vst.idx.msk $0xffff, v9  }
0x43: {  	[spmem:s1] =	stream.indirect.scatter.add.f32 [tilespmem:s15], [sflag:$0x1], $0x10, s20, s16, $0xb8;
	[tilespmem:$0x9000] =	vst v63  }
0x44: {  	_ =	swait.ge [sflag:s13], $0x800  }
0x45: {  	s23 =	simm.s32 $0x400;
	s20 =	simm.s32 $0x200;
	[sflag:s13] =	ssyncset.done $0x0  }
.LBB2_4:
0x46: {  	s22 =	sshra.s32 s20, $0x2  }
0x47: {  	[sflag:s13] =	ssyncadd.s32 $0xFFFFF800;
	s20 =	smov.u32 s23;
	s21 =	sadd.s32 $0x200, s23  }
0x48: {  	p0 =	sne.s32 s23, $0x4E00;
	v9 =	vld [tilespmem:s22+$0x1400];
	_ =	sdelay $0x4  }
0x49: {  	[tilespmem:v0+s15+$0x0] =	vst.idx.msk $0xffff, v9  }
0x4a: {  	v9 =	vld [tilespmem:s22+$0x1410];
	_ =	sdelay $0x4  }
0x4b: {  	[tilespmem:v2+s15+$0x0] =	vst.idx.msk $0xffff, v9  }
0x4c: {  	v9 =	vld [tilespmem:s22+$0x1420];
	_ =	sdelay $0x4  }
0x4d: {  	[tilespmem:v3+s15+$0x0] =	vst.idx.msk $0xffff, v9  }
0x4e: {  	v9 =	vld [tilespmem:s22+$0x1430];
	_ =	sdelay $0x4  }
0x4f: {  	[tilespmem:v4+s15+$0x0] =	vst.idx.msk $0xffff, v9  }
0x50: {  	v9 =	vld [tilespmem:s22+$0x1440];
	_ =	sdelay $0x4  }
0x51: {  	[tilespmem:v5+s15+$0x0] =	vst.idx.msk $0xffff, v9  }
0x52: {  	v9 =	vld [tilespmem:s22+$0x1450];
	_ =	sdelay $0x4  }
0x53: {  	[tilespmem:v6+s15+$0x0] =	vst.idx.msk $0xffff, v9  }
0x54: {  	v9 =	vld [tilespmem:s22+$0x1460];
	_ =	sdelay $0x4  }
0x55: {  	[tilespmem:v7+s15+$0x0] =	vst.idx.msk $0xffff, v9  }
0x56: {  	v9 =	vld [tilespmem:s22+$0x1470];
	_ =	sdelay $0x3  }
.Ltmp1:
0x57: {  	(pc) =	sbr.rel @p0 .LBB2_4-.Ltmp1, $4  }
0x58: {  	[tilespmem:v8+s15+$0x0] =	vst.idx.msk $0xffff, v9  }
0x59: {  	[spmem:s1] =	stream.indirect.scatter.add.f32 [tilespmem:s15], [sflag:$0x1], $0x10, s22, s16, $0xb8;
	[tilespmem:$0x9000] =	vst v63  }
0x5a: {  	_ =	swait.ge [sflag:s13], $0x800  }
0x5b: {  	s23 =	smov.u32 s21;
	[sflag:s13] =	ssyncset.done $0x0  }
0x5c: {  	s20 =	sshra.s32 s20, $0x2;
	[sflag:s13] =	ssyncadd.s32 $0xFFFFF800  }
0x5d: {  	v9 =	vld [tilespmem:s20+$0x1400];
	_ =	sdelay $0x4  }
0x5e: {  	[tilespmem:v0+s15+$0x0] =	vst.idx.msk $0xffff, v9  }
0x5f: {  	v9 =	vld [tilespmem:s20+$0x1410];
	_ =	sdelay $0x4  }
0x60: {  	[tilespmem:v2+s15+$0x0] =	vst.idx.msk $0xffff, v9  }
0x61: {  	v9 =	vld [tilespmem:s20+$0x1420];
	_ =	sdelay $0x4  }
0x62: {  	[tilespmem:v3+s15+$0x0] =	vst.idx.msk $0xffff, v9  }
0x63: {  	v9 =	vld [tilespmem:s20+$0x1430];
	_ =	sdelay $0x4  }
0x64: {  	[tilespmem:v4+s15+$0x0] =	vst.idx.msk $0xffff, v9  }
0x65: {  	v9 =	vld [tilespmem:s20+$0x1440];
	_ =	sdelay $0x4  }
0x66: {  	[tilespmem:v5+s15+$0x0] =	vst.idx.msk $0xffff, v9  }
0x67: {  	v9 =	vld [tilespmem:s20+$0x1450];
	_ =	sdelay $0x4  }
0x68: {  	[tilespmem:v6+s15+$0x0] =	vst.idx.msk $0xffff, v9  }
0x69: {  	v9 =	vld [tilespmem:s20+$0x1460];
	_ =	sdelay $0x4  }
0x6a: {  	[tilespmem:v7+s15+$0x0] =	vst.idx.msk $0xffff, v9  }
0x6b: {  	v9 =	vld [tilespmem:s20+$0x1470];
	_ =	sdelay $0x4  }
0x6c: {  	[tilespmem:v8+s15+$0x0] =	vst.idx.msk $0xffff, v9  }
0x6d: {  	[spmem:s1] =	stream.indirect.scatter.add.f32 [tilespmem:s15], [sflag:$0x1], $0x10, s20, s16, $0xb8;
	[tilespmem:$0x9000] =	vst v63  }
0x6e: {  	_ =	swait.ge [sflag:s13], $0x800  }
0x6f: {  	s19 =	sadd.s32 $0x1, s19;
	[sflag:s13] =	ssyncset.done $0x0  }
0x70: {  	p0 =	sne.s32 s19, s12;
	[sflag:s13] =	ssyncadd.s32 $0xFFFFF800  }
.Ltmp2:
0x71: {  	[bflag:$0x0] =	sbarrier.arrive $0xFFFF;
	(pc) =	sbr.rel @p0 .LBB2_1-.Ltmp2, $4  }
0x72: {  	[hbm:s11], [sflag:s17] =	dma.local [spmem:s18], $0x2800  }
0x73: {  	_ =	swait.ge [sflag:s13], $0x2800  }
0x74: {  	[sflag:s13] =	ssyncset.done $0x0  }
0x75: {  	[sflag:s13] =	ssyncadd.s32 $0xFFFFD800  }
0x76: {  	_ =	sfence.sel $0x180000  }
0x77: {  	[bflag:$0x0] =	sbarrier.arrive $0xFFFF  }
0x78: {  	p0 =	sne.s32 s2, $0x0;
	_ =	strace $0x90000047  }
0x79: {  	s0 =	sadd.s32 @!p0 $0x100000, s0;
	[bflag:$0x2] =	sbarrier.arrive $0xFFFF  }
0x7a: {  	[sflag:s0] =	ssyncadd.tile.s32 @!p0 $0x1;
	_ =	shalt  }
.Lfunc_end2:
_tile_overlayer_lowered:
.L_overlay_start_2:
0x7b: {  	(tag) =	ssettag $0x2  }
0x7c: {  	s0 =	rddreg [dreg:$0x0];
	s2 =	stileid.u32  }
0x7d: {  	s1 =	rddreg [dreg:$0x1];
	p0 =	sne.s32 s2, $0x0  }
0x7e: {  	s3 =	rddreg [dreg:$0x2];
	[bflag:$0x3] =	sbarrier.arrive $0xFFFF;
	s2 =	simm.s32 @!p0 $0x1C01  }
0x7f: {  	[timem:s3], [sflag:s2] =	dma.local @!p0 [hbm:s0], s1  }
0x80: {  	s0 =	simm.s32 @!p0 $0x1  }
0x81: {  	_ =	swait.ge @!p0 [sflag:s0], s1  }
0x82: {  	s1 =	ssub.s32 @!p0 $0x0, s1;
	[sflag:s0] =	ssyncset.done @!p0 $0x0  }
0x83: {  	[sflag:s0] =	ssyncadd.s32 @!p0 s1  }
0x84: {  	[bflag:$0x3] =	sbarrier.arrive $0xFFFF  }
0x85: {  	_ =	shalt  }

</sc_bundles>
